<compile_context>
chip_gen: v7x
topology: tpu7x:2x2x1
jax: 0.10.2.dev20260603
libtpu: 0.0.44.dev20260713+nightly
codegen_flags: <defaults>
</compile_context>

<pallas_src>
import functools

import jax
import jax.numpy as jnp
from jax import lax
from jax.experimental import pallas as pl
from jax.experimental.pallas import tpu as pltpu
from jax.experimental.pallas import tpu_sc as plsc
from jax._src.pallas import primitives as _pl_prims

_EPS = 1e-12


def _l2normalize(v):
    s = jnp.sum(v * v, axis=1, keepdims=True)
    n = jnp.maximum(jnp.sqrt(s), _EPS)
    return v * _pl_prims.reciprocal(n, approx=True)


def _prep_body(t_ref, ew_ref, ewt_ref, bias_ref):
    t = t_ref[...]
    e = _l2normalize(t)
    ew_ref[...] = e
    et = e.T
    ewt_ref[...] = et
    bias_ref[...] = jnp.sum(et * et, axis=0, keepdims=True)


def _prep(table):
    k, d = table.shape
    kb = 1024
    return pl.pallas_call(
        _prep_body,
        grid=(k // kb,),
        in_specs=[pl.BlockSpec((kb, d), lambda i: (i, 0))],
        out_specs=[
            pl.BlockSpec((kb, d), lambda i: (i, 0)),
            pl.BlockSpec((d, kb), lambda i: (0, i)),
            pl.BlockSpec((1, kb), lambda i: (0, i)),
        ],
        out_shape=[
            jax.ShapeDtypeStruct((k, d), jnp.float32),
            jax.ShapeDtypeStruct((d, k), jnp.float32),
            jax.ShapeDtypeStruct((1, k), jnp.float32),
        ],
    )(table)


_BN = 256
_BK = 2048


def _vq_body(x_ref, ewt_ref, bias_ref, idx_ref, loss_ref, *, bn, bk, k):
    i = pl.program_id(0)
    x = x_ref[...]
    xn = _l2normalize(x)
    xn2 = jnp.sum(xn * xn, axis=1, keepdims=True)

    run_mb = jnp.full((bn, 1), jnp.inf, jnp.float32)
    run_val = jnp.full((bn, 1), jnp.inf, jnp.float32)
    run_idx = jnp.zeros((bn, 1), jnp.int32)
    xb = xn.astype(jnp.bfloat16)
    for j in range(k // bk):
        et = ewt_ref[:, j * bk:(j + 1) * bk]
        sc = jnp.dot(xb, et.astype(jnp.bfloat16),
                     preferred_element_type=jnp.float32)
        d = (xn2 + bias_ref[:, j * bk:(j + 1) * bk]) - 2.0 * sc
        mb = jnp.min(d, axis=1, keepdims=True)
        ids = lax.broadcasted_iota(jnp.int32, (bn, bk), 1)
        eq = d == mb
        am = jnp.min(jnp.where(eq, ids, k), axis=1, keepdims=True)
        vs = mb
        upd = mb < run_mb
        run_mb = jnp.where(upd, mb, run_mb)
        run_val = jnp.where(upd, vs, run_val)
        run_idx = jnp.where(upd, am + j * bk, run_idx)

    idx_ref[...] = run_idx

    @pl.when(i == 0)
    def _init():
        loss_ref[...] = jnp.zeros_like(loss_ref)

    loss_ref[...] += jnp.sum(run_val).reshape(1, 1)


def _vq(x, ewt, bias):
    n, d = x.shape
    k = ewt.shape[1]
    body = functools.partial(_vq_body, bn=_BN, bk=_BK, k=k)
    return pl.pallas_call(
        body,
        grid=(n // _BN,),
        in_specs=[
            pl.BlockSpec((_BN, d), lambda i: (i, 0)),
            pl.BlockSpec((d, k), lambda i: (0, 0)),
            pl.BlockSpec((1, k), lambda i: (0, 0)),
        ],
        out_specs=[
            pl.BlockSpec((_BN, 1), lambda i: (i, 0)),
            pl.BlockSpec((1, 1), lambda i: (0, 0)),
        ],
        out_shape=[
            jax.ShapeDtypeStruct((n, 1), jnp.int32),
            jax.ShapeDtypeStruct((1, 1), jnp.float32),
        ],
        compiler_params=pltpu.CompilerParams(
            dimension_semantics=("arbitrary",)),
    )(x, ewt, bias)


_CHUNK = 128


def _gather_body(ew_hbm, idx_hbm, out_hbm, idx_v, rows_v, sem, *, per, chunk):
    wid = lax.axis_index("s") * 2 + lax.axis_index("c")
    base = wid * per
    pltpu.sync_copy(idx_hbm.at[pl.ds(base, per)], idx_v)

    def body(j, carry):
        src = ew_hbm.at[idx_v.at[pl.ds(j * chunk, chunk)]]
        pltpu.async_copy(src, rows_v, sem).wait()
        pltpu.sync_copy(rows_v, out_hbm.at[pl.ds(base + j * chunk, chunk)])
        return carry

    lax.fori_loop(0, per // chunk, body, 0)


def _gather(ew, idx):
    k, d = ew.shape
    n = idx.shape[0]
    nw = 32
    per = n // nw
    mesh = plsc.VectorSubcoreMesh(core_axis_name="c", subcore_axis_name="s")
    body = functools.partial(_gather_body, per=per, chunk=_CHUNK)
    fn = pl.kernel(
        body, mesh=mesh,
        out_type=jax.ShapeDtypeStruct((n, d), jnp.float32),
        scratch_types=[
            pltpu.VMEM((per,), jnp.int32),
            pltpu.VMEM((_CHUNK, d), jnp.float32),
            pltpu.SemaphoreType.DMA,
        ],
    )
    return fn(ew, idx)


def kernel(x, table):
    n, d = x.shape
    ew, ewt, bias = _prep(table)
    idx2d, loss_acc = _vq(x, ewt, bias)
    idx = idx2d.reshape(n)
    quantized = _gather(ew, idx)
    m = loss_acc[0, 0] / jnp.float32(n * d)
    loss = m + 0.25 * m
    return quantized, loss, idx

# --- scband reference (transcript-rebuilt; emitter-appended) ---
"""Pipeline reference for scband-vector-quantizer-27917287424813 (READ-ONLY COPY).

The authoritative reference and input builder live on the scoring server;
editing this copy changes nothing except your own understanding.
"""

import jax, jax.numpy as jnp
import numpy as np


def _l2norm(v, axis=-1, eps=1e-12):
    n = jnp.sqrt(jnp.sum(v * v, axis=axis, keepdims=True))
    return v / jnp.maximum(n, eps)


def setup_inputs(seed: int = 0) -> dict:
    key = jax.random.key(seed)
    k1, k2 = jax.random.split(key)
    x = jax.random.normal(k1, (65536, 256), dtype=jnp.float32)
    table = jax.random.normal(k2, (8192, 256), dtype=jnp.float32) * 0.02
    return {"x": x, "table": table}


def reference(x, table):
    commitment_cost = 0.25
    # x = F.normalize(x, p=2, dim=-1)
    xn = _l2norm(x)
    # get_code_indices
    emb_w = _l2norm(table)
    distances = (jnp.sum(xn ** 2, axis=-1, keepdims=True)
                 + jnp.sum(emb_w ** 2, axis=1)
                 - 2.0 * jnp.matmul(xn, emb_w.T))
    encoding_indices = jnp.argmin(distances, axis=1)
    # quantize: F.normalize(embeddings(idx))
    quantized = _l2norm(jnp.take(table, encoding_indices, axis=0))
    q_latent_loss = jnp.mean((quantized - jax.lax.stop_gradient(xn)) ** 2)
    e_latent_loss = jnp.mean((xn - jax.lax.stop_gradient(quantized)) ** 2)
    loss = q_latent_loss + commitment_cost * e_latent_loss
    # straight-through estimator
    quantized_out = xn + jax.lax.stop_gradient(quantized - xn)
    return quantized_out, loss, encoding_indices

if __name__ == "__main__":
    import jax
    _d = setup_inputs()
    print(jax.jit(kernel)(*tuple(_d.values())))

</pallas_src>

<mosaic_0001>
#map = affine_map<(d0, d1) -> (0, 0)>
#map1 = affine_map<(d0, d1) -> (0)>
module attributes {stable_mosaic.version = 14 : i64} {
  func.func @_gather_body(%arg0: i32, %arg1: i32, %arg2: memref<8192x256xf32, #tpu.memory_space<hbm>>, %arg3: memref<65536xi32, #tpu.memory_space<hbm>>, %arg4: memref<65536x256xf32, #tpu.memory_space<hbm>>, %arg5: memref<2048xi32, #tpu.memory_space<vmem>>, %arg6: memref<128x256xf32, #tpu.memory_space<vmem>>, %arg7: memref<!tpu.dma_semaphore, #tpu.memory_space<semaphore_mem>>) attributes {dimension_semantics = [#tpu.dimension_semantics<core_parallel>, #tpu.dimension_semantics<subcore_parallel>], iteration_bounds = array<i64: 2, 16>, scalar_prefetch = 0 : i64, scratch_operands = 3 : i64, tpu.core_type = #tpu.core_type<sc_vector_subcore>, window_params = [{transform_indices = #map}, {transform_indices = #map1}, {transform_indices = #map}]} {
    %mul3A = arith.constant 2 : i32
    %mul3A_0 = arith.muli %arg1, %mul3A : i32
    %add3A = arith.addi %mul3A_0, %arg0 : i32
    %mul3A_1 = arith.constant 2048 : i32
    %mul3A_2 = arith.muli %add3A, %mul3A_1 : i32
    "tpu.region"() ({
      %run_scoped3A = tpu.sem_alloc : memref<!tpu.dma_semaphore, #tpu.memory_space<semaphore_mem>>
      %dma_start3A = tpu.memref_slice %arg3[%mul3A_2] : memref<65536xi32, #tpu.memory_space<hbm>> -> memref<2048xi32, #tpu.memory_space<hbm>>
      %dma_start3A_8 = tpu.memref_slice %arg3[%mul3A_2] : memref<65536xi32, #tpu.memory_space<hbm>> -> memref<2048xi32, #tpu.memory_space<hbm>>
      tpu.enqueue_dma source(%dma_start3A_8 : memref<2048xi32, #tpu.memory_space<hbm>>) target(%arg5 : memref<2048xi32, #tpu.memory_space<vmem>>) target_semaphore(%run_scoped3A : memref<!tpu.dma_semaphore, #tpu.memory_space<semaphore_mem>>)
      %dma_wait3A = tpu.memref_slice %arg3[%mul3A_2] : memref<65536xi32, #tpu.memory_space<hbm>> -> memref<2048xi32, #tpu.memory_space<hbm>>
      %dma_wait3A_9 = tpu.memref_slice %arg3[%mul3A_2] : memref<65536xi32, #tpu.memory_space<hbm>> -> memref<2048xi32, #tpu.memory_space<hbm>>
      tpu.wait_dma2 semaphore(%run_scoped3A : memref<!tpu.dma_semaphore, #tpu.memory_space<semaphore_mem>>) src(%dma_wait3A_9 : memref<2048xi32, #tpu.memory_space<hbm>>) dst(%arg5 : memref<2048xi32, #tpu.memory_space<vmem>>)
      tpu.yield
    }) : () -> ()
    %scan3A = arith.constant 0 : i32
    %scan3A_3 = arith.constant 0 : i32
    %scan3A_4 = arith.constant 16 : i32
    %scan3A_5 = arith.addi %scan3A_3, %scan3A_4 : i32
    %scan3A_6 = arith.constant 1 : i32
    scf.for %scan3A_8 = %scan3A_3 to %scan3A_5 step %scan3A_6  : i32 {
      %mul3A_9 = arith.constant 128 : i32
      %mul3A_10 = arith.muli %scan3A_8, %mul3A_9 : i32
      %dma_start3A = tpu.memref_slice %arg5[%mul3A_10] : memref<2048xi32, #tpu.memory_space<vmem>> -> memref<128xi32, #tpu.memory_space<vmem>>
      %dma_start3A_11 = arith.constant 0 : i32
      %dma_start3A_12 = arith.constant 0 : i32
      %dma_start3A_13 = tpu.memref_slice %arg2[%dma_start3A_11, %dma_start3A_12] : memref<8192x256xf32, #tpu.memory_space<hbm>> -> memref<8192x256xf32, #tpu.memory_space<hbm>>
      tpu.enqueue_indirect_dma source(%dma_start3A_13 : memref<8192x256xf32, #tpu.memory_space<hbm>>) target(%arg6 : memref<128x256xf32, #tpu.memory_space<vmem>>) offsets(%dma_start3A : memref<128xi32, #tpu.memory_space<vmem>>) semaphore(%arg7 : memref<!tpu.dma_semaphore, #tpu.memory_space<semaphore_mem>>)
      %dma_wait3A = tpu.memref_slice %arg5[%mul3A_10] : memref<2048xi32, #tpu.memory_space<vmem>> -> memref<128xi32, #tpu.memory_space<vmem>>
      %dma_wait3A_14 = arith.constant 0 : i32
      %dma_wait3A_15 = arith.constant 0 : i32
      %dma_wait3A_16 = tpu.memref_slice %arg2[%dma_wait3A_14, %dma_wait3A_15] : memref<8192x256xf32, #tpu.memory_space<hbm>> -> memref<8192x256xf32, #tpu.memory_space<hbm>>
      tpu.wait_indirect_dma semaphore(%arg7 : memref<!tpu.dma_semaphore, #tpu.memory_space<semaphore_mem>>) src(%dma_wait3A_16 : memref<8192x256xf32, #tpu.memory_space<hbm>>) dst(%arg6 : memref<128x256xf32, #tpu.memory_space<vmem>>)
      %mul3A_17 = arith.constant 128 : i32
      %mul3A_18 = arith.muli %scan3A_8, %mul3A_17 : i32
      %add3A_19 = arith.addi %mul3A_2, %mul3A_18 : i32
      "tpu.region"() ({
        %run_scoped3A = tpu.sem_alloc : memref<!tpu.dma_semaphore, #tpu.memory_space<semaphore_mem>>
        %dma_start3A_20 = arith.constant 0 : i32
        %dma_start3A_21 = tpu.memref_slice %arg4[%add3A_19, %dma_start3A_20] : memref<65536x256xf32, #tpu.memory_space<hbm>> -> memref<128x256xf32, #tpu.memory_space<hbm>>
        %dma_start3A_22 = arith.constant 0 : i32
        %dma_start3A_23 = tpu.memref_slice %arg4[%add3A_19, %dma_start3A_22] : memref<65536x256xf32, #tpu.memory_space<hbm>> -> memref<128x256xf32, #tpu.memory_space<hbm>>
        tpu.enqueue_dma source(%arg6 : memref<128x256xf32, #tpu.memory_space<vmem>>) target(%dma_start3A_23 : memref<128x256xf32, #tpu.memory_space<hbm>>) target_semaphore(%run_scoped3A : memref<!tpu.dma_semaphore, #tpu.memory_space<semaphore_mem>>)
        %dma_wait3A_24 = arith.constant 0 : i32
        %dma_wait3A_25 = tpu.memref_slice %arg4[%add3A_19, %dma_wait3A_24] : memref<65536x256xf32, #tpu.memory_space<hbm>> -> memref<128x256xf32, #tpu.memory_space<hbm>>
        %dma_wait3A_26 = arith.constant 0 : i32
        %dma_wait3A_27 = tpu.memref_slice %arg4[%add3A_19, %dma_wait3A_26] : memref<65536x256xf32, #tpu.memory_space<hbm>> -> memref<128x256xf32, #tpu.memory_space<hbm>>
        tpu.wait_dma2 semaphore(%run_scoped3A : memref<!tpu.dma_semaphore, #tpu.memory_space<semaphore_mem>>) src(%arg6 : memref<128x256xf32, #tpu.memory_space<vmem>>) dst(%dma_wait3A_27 : memref<128x256xf32, #tpu.memory_space<hbm>>)
        tpu.yield
      }) : () -> ()
    }
    %scan3A_7 = arith.constant 16 : i32
    return
  }
}

module attributes {stable_mosaic.version = 14 : i64} {
  func.func @_prep_body(%arg0: i32, %arg1: memref<1024x256xf32, #tpu.memory_space<vmem>>, %arg2: memref<1024x256xf32, #tpu.memory_space<vmem>>, %arg3: memref<256x1024xf32, #tpu.memory_space<vmem>>, %arg4: memref<1x1024xf32, #tpu.memory_space<vmem>>) attributes {dimension_semantics = [#tpu.dimension_semantics<arbitrary>], iteration_bounds = array<i64: 8>, scalar_prefetch = 0 : i64, scratch_operands = 0 : i64, tpu.core_type = #tpu.core_type<tc>, window_params = [{transform_indices = @transform_0, window_bounds = array<i64: 1024, 256>}, {transform_indices = @transform_1, window_bounds = array<i64: 1024, 256>}, {transform_indices = @transform_2, window_bounds = array<i64: 256, 1024>}, {transform_indices = @transform_3, window_bounds = array<i64: 1, 1024>}]} {
    %get3A = arith.constant 0 : index
    %get3A_0 = arith.constant 0 : index
    %get3A_1 = vector.load %arg1[%get3A, %get3A_0] : memref<1024x256xf32, #tpu.memory_space<vmem>>, vector<1024x256xf32>
    %mul3A = arith.mulf %get3A_1, %get3A_1 : vector<1024x256xf32>
    %reduce_sum3A = arith.constant dense<0.000000e+00> : vector<1024xf32>
    %reduce_sum3A_2 = vector.multi_reduction <add>, %mul3A, %reduce_sum3A [1] : vector<1024x256xf32> to vector<1024xf32>
    %broadcast_in_dim3A = vector.shape_cast %reduce_sum3A_2 : vector<1024xf32> to vector<1024x1xf32>
    %sqrt3A = math.sqrt %broadcast_in_dim3A : vector<1024x1xf32>
    %max3A = arith.constant 9.99999996E-13 : f32
    %max3A_3 = vector.broadcast %max3A : f32 to vector<1024x1xf32>
    %max3A_4 = arith.maximumf %sqrt3A, %max3A_3 : vector<1024x1xf32>
    %reciprocal3A = tpu.reciprocal %max3A_4 {approx = true} : vector<1024x1xf32> -> vector<1024x1xf32>
    %mul3A_5 = vector.broadcast %reciprocal3A : vector<1024x1xf32> to vector<1024x256xf32>
    %mul3A_6 = arith.mulf %get3A_1, %mul3A_5 : vector<1024x256xf32>
    %swap3A = arith.constant 0 : index
    %swap3A_7 = arith.constant 0 : index
    %swap3A_8 = vector.load %arg2[%swap3A, %swap3A_7] : memref<1024x256xf32, #tpu.memory_space<vmem>>, vector<1024x256xf32>
    tpu.vector_store %arg2[%swap3A, %swap3A_7], %mul3A_6 {strides = array<i32>} : memref<1024x256xf32, #tpu.memory_space<vmem>>, vector<1024x256xf32>,
    %transpose3A = tpu.transpose %mul3A_6, [1, 0] : vector<1024x256xf32> -> vector<256x1024xf32>
    %swap3A_9 = arith.constant 0 : index
    %swap3A_10 = arith.constant 0 : index
    %swap3A_11 = vector.load %arg3[%swap3A_9, %swap3A_10] : memref<256x1024xf32, #tpu.memory_space<vmem>>, vector<256x1024xf32>
    tpu.vector_store %arg3[%swap3A_9, %swap3A_10], %transpose3A {strides = array<i32>} : memref<256x1024xf32, #tpu.memory_space<vmem>>, vector<256x1024xf32>,
    %mul3A_12 = arith.mulf %transpose3A, %transpose3A : vector<256x1024xf32>
    %reduce_sum3A_13 = arith.constant dense<0.000000e+00> : vector<1024xf32>
    %reduce_sum3A_14 = vector.multi_reduction <add>, %mul3A_12, %reduce_sum3A_13 [0] : vector<256x1024xf32> to vector<1024xf32>
    %broadcast_in_dim3A_15 = vector.shape_cast %reduce_sum3A_14 : vector<1024xf32> to vector<1x1024xf32>
    %swap3A_16 = arith.constant 0 : index
    %swap3A_17 = arith.constant 0 : index
    %swap3A_18 = vector.load %arg4[%swap3A_16, %swap3A_17] : memref<1x1024xf32, #tpu.memory_space<vmem>>, vector<1x1024xf32>
    tpu.vector_store %arg4[%swap3A_16, %swap3A_17], %broadcast_in_dim3A_15 {strides = array<i32>} : memref<1x1024xf32, #tpu.memory_space<vmem>>, vector<1x1024xf32>,
    return
  }
  func.func @transform_0(%arg0: i32) -> (i32, i32) {
    %c0_i32 = arith.constant 0 : i32
    %c0_i32_0 = arith.constant 0 : i32
    return %arg0, %c0_i32 : i32, i32
  }
  func.func @transform_1(%arg0: i32) -> (i32, i32) {
    %c0_i32 = arith.constant 0 : i32
    %c0_i32_0 = arith.constant 0 : i32
    return %arg0, %c0_i32 : i32, i32
  }
  func.func @transform_2(%arg0: i32) -> (i32, i32) {
    %c0_i32 = arith.constant 0 : i32
    %c0_i32_0 = arith.constant 0 : i32
    return %c0_i32, %arg0 : i32, i32
  }
  func.func @transform_3(%arg0: i32) -> (i32, i32) {
    %c0_i32 = arith.constant 0 : i32
    %c0_i32_0 = arith.constant 0 : i32
    return %c0_i32, %arg0 : i32, i32
  }
}

module attributes {stable_mosaic.version = 14 : i64} {
  func.func @_vq_body(%arg0: i32, %arg1: memref<256x256xf32, #tpu.memory_space<vmem>>, %arg2: memref<256x8192xf32, #tpu.memory_space<vmem>>, %arg3: memref<1x8192xf32, #tpu.memory_space<vmem>>, %arg4: memref<256x1xi32, #tpu.memory_space<vmem>>, %arg5: memref<1x1xf32, #tpu.memory_space<vmem>>) attributes {dimension_semantics = [#tpu.dimension_semantics<arbitrary>], iteration_bounds = array<i64: 256>, scalar_prefetch = 0 : i64, scratch_operands = 0 : i64, tpu.core_type = #tpu.core_type<tc>, window_params = [{transform_indices = @transform_0, window_bounds = array<i64: 256, 256>}, {pipeline_mode = #tpu.pipeline_mode<synchronous>, transform_indices = @transform_1, window_bounds = array<i64: 256, 8192>}, {pipeline_mode = #tpu.pipeline_mode<synchronous>, transform_indices = @transform_2, window_bounds = array<i64: 1, 8192>}, {transform_indices = @transform_3, window_bounds = array<i64: 256, 1>}, {pipeline_mode = #tpu.pipeline_mode<synchronous>, transform_indices = @transform_4, window_bounds = array<i64: 1, 1>}]} {
    %get3A = arith.constant 0 : index
    %get3A_0 = arith.constant 0 : index
    %get3A_1 = vector.load %arg1[%get3A, %get3A_0] : memref<256x256xf32, #tpu.memory_space<vmem>>, vector<256x256xf32>
    %mul3A = arith.mulf %get3A_1, %get3A_1 : vector<256x256xf32>
    %reduce_sum3A = arith.constant dense<0.000000e+00> : vector<256xf32>
    %reduce_sum3A_2 = vector.multi_reduction <add>, %mul3A, %reduce_sum3A [1] : vector<256x256xf32> to vector<256xf32>
    %broadcast_in_dim3A = vector.shape_cast %reduce_sum3A_2 : vector<256xf32> to vector<256x1xf32>
    %sqrt3A = math.sqrt %broadcast_in_dim3A : vector<256x1xf32>
    %max3A = arith.constant 9.99999996E-13 : f32
    %max3A_3 = vector.broadcast %max3A : f32 to vector<256x1xf32>
    %max3A_4 = arith.maximumf %sqrt3A, %max3A_3 : vector<256x1xf32>
    %reciprocal3A = tpu.reciprocal %max3A_4 {approx = true} : vector<256x1xf32> -> vector<256x1xf32>
    %mul3A_5 = vector.broadcast %reciprocal3A : vector<256x1xf32> to vector<256x256xf32>
    %mul3A_6 = arith.mulf %get3A_1, %mul3A_5 : vector<256x256xf32>
    %mul3A_7 = arith.mulf %mul3A_6, %mul3A_6 : vector<256x256xf32>
    %reduce_sum3A_8 = arith.constant dense<0.000000e+00> : vector<256xf32>
    %reduce_sum3A_9 = vector.multi_reduction <add>, %mul3A_7, %reduce_sum3A_8 [1] : vector<256x256xf32> to vector<256xf32>
    %broadcast_in_dim3A_10 = vector.shape_cast %reduce_sum3A_9 : vector<256xf32> to vector<256x1xf32>
    %broadcast_in_dim3A_11 = arith.constant 0x7F800000 : f32
    %broadcast_in_dim3A_12 = vector.broadcast %broadcast_in_dim3A_11 : f32 to vector<256x1xf32>
    %broadcast_in_dim3A_13 = arith.constant 0x7F800000 : f32
    %broadcast_in_dim3A_14 = vector.broadcast %broadcast_in_dim3A_13 : f32 to vector<256x1xf32>
    %broadcast_in_dim3A_15 = arith.constant 0 : i32
    %broadcast_in_dim3A_16 = vector.broadcast %broadcast_in_dim3A_15 : i32 to vector<256x1xi32>
    %convert_element_type3A = arith.truncf %mul3A_6 : vector<256x256xf32> to vector<256x256xbf16>
    %get3A_17 = arith.constant 0 : index
    %get3A_18 = arith.constant 0 : index
    %get3A_19 = vector.load %arg2[%get3A_17, %get3A_18] : memref<256x8192xf32, #tpu.memory_space<vmem>>, vector<256x2048xf32>
    %convert_element_type3A_20 = arith.truncf %get3A_19 : vector<256x2048xf32> to vector<256x2048xbf16>
    %dot_general3A = arith.constant dense<0.000000e+00> : vector<256x2048xf32>
    %dot_general3A_21 = tpu.matmul %convert_element_type3A, %convert_element_type3A_20, %dot_general3A {dimension_numbers = #tpu.dot_dimension_numbers<[1], [0], [0], [1], [0, 0, 1, 1], [], []>, transpose_lhs_hint = false} : vector<256x256xbf16>, vector<256x2048xbf16>, vector<256x2048xf32> -> vector<256x2048xf32>
    %get3A_22 = arith.constant 0 : index
    %get3A_23 = arith.constant 0 : index
    %get3A_24 = vector.load %arg3[%get3A_22, %get3A_23] : memref<1x8192xf32, #tpu.memory_space<vmem>>, vector<1x2048xf32>
    %add3A = vector.broadcast %broadcast_in_dim3A_10 : vector<256x1xf32> to vector<256x2048xf32>
    %add3A_25 = vector.broadcast %get3A_24 : vector<1x2048xf32> to vector<256x2048xf32>
    %add3A_26 = arith.addf %add3A, %add3A_25 : vector<256x2048xf32>
    %mul3A_27 = arith.constant 2.000000e+00 : f32
    %mul3A_28 = vector.broadcast %mul3A_27 : f32 to vector<256x2048xf32>
    %mul3A_29 = arith.mulf %mul3A_28, %dot_general3A_21 : vector<256x2048xf32>
    %sub3A = arith.subf %add3A_26, %mul3A_29 : vector<256x2048xf32>
    %reduce_min3A = arith.constant dense<0x7F800000> : vector<256xf32>
    %reduce_min3A_30 = vector.multi_reduction <minimumf>, %sub3A, %reduce_min3A [1] : vector<256x2048xf32> to vector<256xf32>
    %broadcast_in_dim3A_31 = vector.shape_cast %reduce_min3A_30 : vector<256xf32> to vector<256x1xf32>
    %iota3A = tpu.iota {dimensions = array<i32: 1>} : vector<256x2048xi32>
    %eq3A = vector.broadcast %broadcast_in_dim3A_31 : vector<256x1xf32> to vector<256x2048xf32>
    %eq3A_32 = arith.cmpf oeq, %sub3A, %eq3A : vector<256x2048xf32>
    %jit3A = arith.constant 8192 : i32
    %broadcast_in_dim3A_33 = vector.broadcast %jit3A : i32 to vector<256x2048xi32>
    %select_n3A = arith.select %eq3A_32, %iota3A, %broadcast_in_dim3A_33 : vector<256x2048xi1>, vector<256x2048xi32>
    %reduce_min3A_34 = arith.constant dense<2147483647> : vector<256xi32>
    %reduce_min3A_35 = vector.multi_reduction <minsi>, %select_n3A, %reduce_min3A_34 [1] : vector<256x2048xi32> to vector<256xi32>
    %broadcast_in_dim3A_36 = vector.shape_cast %reduce_min3A_35 : vector<256xi32> to vector<256x1xi32>
    %lt3A = arith.cmpf olt, %broadcast_in_dim3A_31, %broadcast_in_dim3A_12 : vector<256x1xf32>
    %select_n3A_37 = arith.select %lt3A, %broadcast_in_dim3A_31, %broadcast_in_dim3A_12 : vector<256x1xi1>, vector<256x1xf32>
    %select_n3A_38 = arith.select %lt3A, %broadcast_in_dim3A_31, %broadcast_in_dim3A_14 : vector<256x1xi1>, vector<256x1xf32>
    %add3A_39 = arith.constant 0 : i32
    %add3A_40 = vector.broadcast %add3A_39 : i32 to vector<256x1xi32>
    %add3A_41 = arith.addi %broadcast_in_dim3A_36, %add3A_40 : vector<256x1xi32>
    %select_n3A_42 = arith.select %lt3A, %add3A_41, %broadcast_in_dim3A_16 : vector<256x1xi1>, vector<256x1xi32>
    %get3A_43 = arith.constant 0 : index
    %get3A_44 = arith.constant 2048 : index
    %get3A_45 = vector.load %arg2[%get3A_43, %get3A_44] : memref<256x8192xf32, #tpu.memory_space<vmem>>, vector<256x2048xf32>
    %convert_element_type3A_46 = arith.truncf %get3A_45 : vector<256x2048xf32> to vector<256x2048xbf16>
    %dot_general3A_47 = arith.constant dense<0.000000e+00> : vector<256x2048xf32>
    %dot_general3A_48 = tpu.matmul %convert_element_type3A, %convert_element_type3A_46, %dot_general3A_47 {dimension_numbers = #tpu.dot_dimension_numbers<[1], [0], [0], [1], [0, 0, 1, 1], [], []>, transpose_lhs_hint = false} : vector<256x256xbf16>, vector<256x2048xbf16>, vector<256x2048xf32> -> vector<256x2048xf32>
    %get3A_49 = arith.constant 0 : index
    %get3A_50 = arith.constant 2048 : index
    %get3A_51 = vector.load %arg3[%get3A_49, %get3A_50] : memref<1x8192xf32, #tpu.memory_space<vmem>>, vector<1x2048xf32>
    %add3A_52 = vector.broadcast %broadcast_in_dim3A_10 : vector<256x1xf32> to vector<256x2048xf32>
    %add3A_53 = vector.broadcast %get3A_51 : vector<1x2048xf32> to vector<256x2048xf32>
    %add3A_54 = arith.addf %add3A_52, %add3A_53 : vector<256x2048xf32>
    %mul3A_55 = arith.constant 2.000000e+00 : f32
    %mul3A_56 = vector.broadcast %mul3A_55 : f32 to vector<256x2048xf32>
    %mul3A_57 = arith.mulf %mul3A_56, %dot_general3A_48 : vector<256x2048xf32>
    %sub3A_58 = arith.subf %add3A_54, %mul3A_57 : vector<256x2048xf32>
    %reduce_min3A_59 = arith.constant dense<0x7F800000> : vector<256xf32>
    %reduce_min3A_60 = vector.multi_reduction <minimumf>, %sub3A_58, %reduce_min3A_59 [1] : vector<256x2048xf32> to vector<256xf32>
    %broadcast_in_dim3A_61 = vector.shape_cast %reduce_min3A_60 : vector<256xf32> to vector<256x1xf32>
    %iota3A_62 = tpu.iota {dimensions = array<i32: 1>} : vector<256x2048xi32>
    %eq3A_63 = vector.broadcast %broadcast_in_dim3A_61 : vector<256x1xf32> to vector<256x2048xf32>
    %eq3A_64 = arith.cmpf oeq, %sub3A_58, %eq3A_63 : vector<256x2048xf32>
    %jit3A_65 = arith.constant 8192 : i32
    %broadcast_in_dim3A_66 = vector.broadcast %jit3A_65 : i32 to vector<256x2048xi32>
    %select_n3A_67 = arith.select %eq3A_64, %iota3A_62, %broadcast_in_dim3A_66 : vector<256x2048xi1>, vector<256x2048xi32>
    %reduce_min3A_68 = arith.constant dense<2147483647> : vector<256xi32>
    %reduce_min3A_69 = vector.multi_reduction <minsi>, %select_n3A_67, %reduce_min3A_68 [1] : vector<256x2048xi32> to vector<256xi32>
    %broadcast_in_dim3A_70 = vector.shape_cast %reduce_min3A_69 : vector<256xi32> to vector<256x1xi32>
    %lt3A_71 = arith.cmpf olt, %broadcast_in_dim3A_61, %select_n3A_37 : vector<256x1xf32>
    %select_n3A_72 = arith.select %lt3A_71, %broadcast_in_dim3A_61, %select_n3A_37 : vector<256x1xi1>, vector<256x1xf32>
    %select_n3A_73 = arith.select %lt3A_71, %broadcast_in_dim3A_61, %select_n3A_38 : vector<256x1xi1>, vector<256x1xf32>
    %add3A_74 = arith.constant 2048 : i32
    %add3A_75 = vector.broadcast %add3A_74 : i32 to vector<256x1xi32>
    %add3A_76 = arith.addi %broadcast_in_dim3A_70, %add3A_75 : vector<256x1xi32>
    %select_n3A_77 = arith.select %lt3A_71, %add3A_76, %select_n3A_42 : vector<256x1xi1>, vector<256x1xi32>
    %get3A_78 = arith.constant 0 : index
    %get3A_79 = arith.constant 4096 : index
    %get3A_80 = vector.load %arg2[%get3A_78, %get3A_79] : memref<256x8192xf32, #tpu.memory_space<vmem>>, vector<256x2048xf32>
    %convert_element_type3A_81 = arith.truncf %get3A_80 : vector<256x2048xf32> to vector<256x2048xbf16>
    %dot_general3A_82 = arith.constant dense<0.000000e+00> : vector<256x2048xf32>
    %dot_general3A_83 = tpu.matmul %convert_element_type3A, %convert_element_type3A_81, %dot_general3A_82 {dimension_numbers = #tpu.dot_dimension_numbers<[1], [0], [0], [1], [0, 0, 1, 1], [], []>, transpose_lhs_hint = false} : vector<256x256xbf16>, vector<256x2048xbf16>, vector<256x2048xf32> -> vector<256x2048xf32>
    %get3A_84 = arith.constant 0 : index
    %get3A_85 = arith.constant 4096 : index
    %get3A_86 = vector.load %arg3[%get3A_84, %get3A_85] : memref<1x8192xf32, #tpu.memory_space<vmem>>, vector<1x2048xf32>
    %add3A_87 = vector.broadcast %broadcast_in_dim3A_10 : vector<256x1xf32> to vector<256x2048xf32>
    %add3A_88 = vector.broadcast %get3A_86 : vector<1x2048xf32> to vector<256x2048xf32>
    %add3A_89 = arith.addf %add3A_87, %add3A_88 : vector<256x2048xf32>
    %mul3A_90 = arith.constant 2.000000e+00 : f32
    %mul3A_91 = vector.broadcast %mul3A_90 : f32 to vector<256x2048xf32>
    %mul3A_92 = arith.mulf %mul3A_91, %dot_general3A_83 : vector<256x2048xf32>
    %sub3A_93 = arith.subf %add3A_89, %mul3A_92 : vector<256x2048xf32>
    %reduce_min3A_94 = arith.constant dense<0x7F800000> : vector<256xf32>
    %reduce_min3A_95 = vector.multi_reduction <minimumf>, %sub3A_93, %reduce_min3A_94 [1] : vector<256x2048xf32> to vector<256xf32>
    %broadcast_in_dim3A_96 = vector.shape_cast %reduce_min3A_95 : vector<256xf32> to vector<256x1xf32>
    %iota3A_97 = tpu.iota {dimensions = array<i32: 1>} : vector<256x2048xi32>
    %eq3A_98 = vector.broadcast %broadcast_in_dim3A_96 : vector<256x1xf32> to vector<256x2048xf32>
    %eq3A_99 = arith.cmpf oeq, %sub3A_93, %eq3A_98 : vector<256x2048xf32>
    %jit3A_100 = arith.constant 8192 : i32
    %broadcast_in_dim3A_101 = vector.broadcast %jit3A_100 : i32 to vector<256x2048xi32>
    %select_n3A_102 = arith.select %eq3A_99, %iota3A_97, %broadcast_in_dim3A_101 : vector<256x2048xi1>, vector<256x2048xi32>
    %reduce_min3A_103 = arith.constant dense<2147483647> : vector<256xi32>
    %reduce_min3A_104 = vector.multi_reduction <minsi>, %select_n3A_102, %reduce_min3A_103 [1] : vector<256x2048xi32> to vector<256xi32>
    %broadcast_in_dim3A_105 = vector.shape_cast %reduce_min3A_104 : vector<256xi32> to vector<256x1xi32>
    %lt3A_106 = arith.cmpf olt, %broadcast_in_dim3A_96, %select_n3A_72 : vector<256x1xf32>
    %select_n3A_107 = arith.select %lt3A_106, %broadcast_in_dim3A_96, %select_n3A_72 : vector<256x1xi1>, vector<256x1xf32>
    %select_n3A_108 = arith.select %lt3A_106, %broadcast_in_dim3A_96, %select_n3A_73 : vector<256x1xi1>, vector<256x1xf32>
    %add3A_109 = arith.constant 4096 : i32
    %add3A_110 = vector.broadcast %add3A_109 : i32 to vector<256x1xi32>
    %add3A_111 = arith.addi %broadcast_in_dim3A_105, %add3A_110 : vector<256x1xi32>
    %select_n3A_112 = arith.select %lt3A_106, %add3A_111, %select_n3A_77 : vector<256x1xi1>, vector<256x1xi32>
    %get3A_113 = arith.constant 0 : index
    %get3A_114 = arith.constant 6144 : index
    %get3A_115 = vector.load %arg2[%get3A_113, %get3A_114] : memref<256x8192xf32, #tpu.memory_space<vmem>>, vector<256x2048xf32>
    %convert_element_type3A_116 = arith.truncf %get3A_115 : vector<256x2048xf32> to vector<256x2048xbf16>
    %dot_general3A_117 = arith.constant dense<0.000000e+00> : vector<256x2048xf32>
    %dot_general3A_118 = tpu.matmul %convert_element_type3A, %convert_element_type3A_116, %dot_general3A_117 {dimension_numbers = #tpu.dot_dimension_numbers<[1], [0], [0], [1], [0, 0, 1, 1], [], []>, transpose_lhs_hint = false} : vector<256x256xbf16>, vector<256x2048xbf16>, vector<256x2048xf32> -> vector<256x2048xf32>
    %get3A_119 = arith.constant 0 : index
    %get3A_120 = arith.constant 6144 : index
    %get3A_121 = vector.load %arg3[%get3A_119, %get3A_120] : memref<1x8192xf32, #tpu.memory_space<vmem>>, vector<1x2048xf32>
    %add3A_122 = vector.broadcast %broadcast_in_dim3A_10 : vector<256x1xf32> to vector<256x2048xf32>
    %add3A_123 = vector.broadcast %get3A_121 : vector<1x2048xf32> to vector<256x2048xf32>
    %add3A_124 = arith.addf %add3A_122, %add3A_123 : vector<256x2048xf32>
    %mul3A_125 = arith.constant 2.000000e+00 : f32
    %mul3A_126 = vector.broadcast %mul3A_125 : f32 to vector<256x2048xf32>
    %mul3A_127 = arith.mulf %mul3A_126, %dot_general3A_118 : vector<256x2048xf32>
    %sub3A_128 = arith.subf %add3A_124, %mul3A_127 : vector<256x2048xf32>
    %reduce_min3A_129 = arith.constant dense<0x7F800000> : vector<256xf32>
    %reduce_min3A_130 = vector.multi_reduction <minimumf>, %sub3A_128, %reduce_min3A_129 [1] : vector<256x2048xf32> to vector<256xf32>
    %broadcast_in_dim3A_131 = vector.shape_cast %reduce_min3A_130 : vector<256xf32> to vector<256x1xf32>
    %iota3A_132 = tpu.iota {dimensions = array<i32: 1>} : vector<256x2048xi32>
    %eq3A_133 = vector.broadcast %broadcast_in_dim3A_131 : vector<256x1xf32> to vector<256x2048xf32>
    %eq3A_134 = arith.cmpf oeq, %sub3A_128, %eq3A_133 : vector<256x2048xf32>
    %jit3A_135 = arith.constant 8192 : i32
    %broadcast_in_dim3A_136 = vector.broadcast %jit3A_135 : i32 to vector<256x2048xi32>
    %select_n3A_137 = arith.select %eq3A_134, %iota3A_132, %broadcast_in_dim3A_136 : vector<256x2048xi1>, vector<256x2048xi32>
    %reduce_min3A_138 = arith.constant dense<2147483647> : vector<256xi32>
    %reduce_min3A_139 = vector.multi_reduction <minsi>, %select_n3A_137, %reduce_min3A_138 [1] : vector<256x2048xi32> to vector<256xi32>
    %broadcast_in_dim3A_140 = vector.shape_cast %reduce_min3A_139 : vector<256xi32> to vector<256x1xi32>
    %lt3A_141 = arith.cmpf olt, %broadcast_in_dim3A_131, %select_n3A_107 : vector<256x1xf32>
    %select_n3A_142 = arith.select %lt3A_141, %broadcast_in_dim3A_131, %select_n3A_108 : vector<256x1xi1>, vector<256x1xf32>
    %add3A_143 = arith.constant 6144 : i32
    %add3A_144 = vector.broadcast %add3A_143 : i32 to vector<256x1xi32>
    %add3A_145 = arith.addi %broadcast_in_dim3A_140, %add3A_144 : vector<256x1xi32>
    %select_n3A_146 = arith.select %lt3A_141, %add3A_145, %select_n3A_112 : vector<256x1xi1>, vector<256x1xi32>
    %swap3A = arith.constant 0 : index
    %swap3A_147 = arith.constant 0 : index
    %swap3A_148 = vector.load %arg4[%swap3A, %swap3A_147] : memref<256x1xi32, #tpu.memory_space<vmem>>, vector<256x1xi32>
    tpu.vector_store %arg4[%swap3A, %swap3A_147], %select_n3A_146 {strides = array<i32>} : memref<256x1xi32, #tpu.memory_space<vmem>>, vector<256x1xi32>,
    %eq3A_149 = arith.constant 0 : i32
    %eq3A_150 = arith.cmpi eq, %arg0, %eq3A_149 : i32
    %convert_element_type3A_151 = arith.extui %eq3A_150 : i1 to i32
    %cond3A = arith.constant 0 : i32
    %cond3A_152 = arith.cmpi ne, %convert_element_type3A_151, %cond3A : i32
    scf.if %cond3A_152 {
      %broadcast_in_dim3A_165 = arith.constant 0.000000e+00 : f32
      %broadcast_in_dim3A_166 = vector.broadcast %broadcast_in_dim3A_165 : f32 to vector<1x1xf32>
      %swap3A_167 = arith.constant 0 : index
      %swap3A_168 = arith.constant 0 : index
      %swap3A_169 = vector.load %arg5[%swap3A_167, %swap3A_168] : memref<1x1xf32, #tpu.memory_space<vmem>>, vector<1x1xf32>
      tpu.vector_store %arg5[%swap3A_167, %swap3A_168], %broadcast_in_dim3A_166 {strides = array<i32>} : memref<1x1xf32, #tpu.memory_space<vmem>>, vector<1x1xf32>,
    } else {
    }
    %get3A_153 = arith.constant 0 : index
    %get3A_154 = arith.constant 0 : index
    %get3A_155 = vector.load %arg5[%get3A_153, %get3A_154] : memref<1x1xf32, #tpu.memory_space<vmem>>, vector<1x1xf32>
    %reduce_sum3A_156 = vector.shape_cast %select_n3A_142 : vector<256x1xf32> to vector<1x256x1xf32>
    %reduce_sum3A_157 = arith.constant dense<0.000000e+00> : vector<1xf32>
    %reduce_sum3A_158 = vector.multi_reduction <add>, %reduce_sum3A_156, %reduce_sum3A_157 [1, 2] : vector<1x256x1xf32> to vector<1xf32>
    %reduce_sum3A_159 = vector.shape_cast %reduce_sum3A_158 : vector<1xf32> to vector<1x1x1xf32>
    %reduce_sum3A_160 = vector.extract %reduce_sum3A_159[0, 0, 0] : f32 from vector<1x1x1xf32>
    %reshape3A = vector.broadcast %reduce_sum3A_160 : f32 to vector<1x1xf32>
    %add3A_161 = arith.addf %get3A_155, %reshape3A : vector<1x1xf32>
    %swap3A_162 = arith.constant 0 : index
    %swap3A_163 = arith.constant 0 : index
    %swap3A_164 = vector.load %arg5[%swap3A_162, %swap3A_163] : memref<1x1xf32, #tpu.memory_space<vmem>>, vector<1x1xf32>
    tpu.vector_store %arg5[%swap3A_162, %swap3A_163], %add3A_161 {strides = array<i32>} : memref<1x1xf32, #tpu.memory_space<vmem>>, vector<1x1xf32>,
    return
  }
  func.func @transform_0(%arg0: i32) -> (i32, i32) {
    %c0_i32 = arith.constant 0 : i32
    %c0_i32_0 = arith.constant 0 : i32
    return %arg0, %c0_i32 : i32, i32
  }
  func.func @transform_1(%arg0: i32) -> (i32, i32) {
    %c0_i32 = arith.constant 0 : i32
    %c0_i32_0 = arith.constant 0 : i32
    %c0_i32_1 = arith.constant 0 : i32
    return %c0_i32, %c0_i32_0 : i32, i32
  }
  func.func @transform_2(%arg0: i32) -> (i32, i32) {
    %c0_i32 = arith.constant 0 : i32
    %c0_i32_0 = arith.constant 0 : i32
    %c0_i32_1 = arith.constant 0 : i32
    return %c0_i32, %c0_i32_0 : i32, i32
  }
  func.func @transform_3(%arg0: i32) -> (i32, i32) {
    %c0_i32 = arith.constant 0 : i32
    %c0_i32_0 = arith.constant 0 : i32
    return %arg0, %c0_i32 : i32, i32
  }
  func.func @transform_4(%arg0: i32) -> (i32, i32) {
    %c0_i32 = arith.constant 0 : i32
    %c0_i32_0 = arith.constant 0 : i32
    %c0_i32_1 = arith.constant 0 : i32
    return %c0_i32, %c0_i32_0 : i32, i32
  }
}

</mosaic_0001>

<sc_bundles>
// kernel: kernel.5.cloned.1.call-start
scs
__scs_entry_jumppad:
0x0: {  	(pc) =	sbr.rel $0x88, $3  }
0x1: {  	(tag) =	ssettag $0x0;
	lr =	simm.s32 $0x1  }
0x2: {  	[smem:$0x3F9F] =	sst lr;
	_ =	strace $0xD0000000  }
0x3: {  	_ = 	snop  }
0x4: {  	_ = 	snop  }
0x5: {  	_ = 	snop  }
0x6: {  	_ = 	snop  }
0x7: {  	_ = 	snop  }
__scs_overlays_trampoline_lowered:
0x8: {  	[smem:$0x3FAE] =	sst s0  }
0x9: {  	[smem:$0x3FAF] =	sst s1  }
0xa: {  	[smem:$0x3FB0] =	sst s2  }
0xb: {  	[smem:$0x3FB1] =	sst s3  }
0xc: {  	[smem:$0x3FB2] =	sst s4  }
0xd: {  	[smem:$0x3FB3] =	sst s5  }
0xe: {  	[smem:$0x3FB4] =	sst s6  }
0xf: {  	[smem:$0x3FB5] =	sst s7  }
0x10: {  	[smem:$0x3FB6] =	sst s8  }
0x11: {  	[smem:$0x3FB7] =	sst s9;
	s0 =	simm.s32 @!p0 $0x0  }
0x12: {  	s1 =	sld [smem:$0x3F9D];
	s0 =	simm.s32 @p0 $0x1  }
0x13: {  	[smem:$0x3FB8] =	sst s0;
	s0 =	simm.s32 @!p1 $0x0  }
0x14: {  	s2 =	sld [smem:$0x3F9C];
	s0 =	simm.s32 @p1 $0x1  }
0x15: {  	[smem:$0x3FB9] =	sst s0;
	s0 =	simm.s32 @!p2 $0x0  }
0x16: {  	s3 =	sld [smem:$0x3FDB];
	s0 =	simm.s32 @p2 $0x1  }
0x17: {  	s4 =	simm.s32 $0x1BF5;
	[smem:$0x3FBB] =	sst s0  }
0x18: {  	s0 =	sld [smem:$0x3F9E];
	_ =	swait.ge [sflag:s4], $0x0  }
0x19: {  	s7 =	sld [smem:$0x3F9F]  }
0x1a: {  	s8 =	sadd.s32 $0xFFFFE003, lr  }
0x1b: {  	s9 =	sadd.s32 $0xFFFFFEF7, lr;
	s5 =	simm.s32 $0xFFFFFFFF;
	p2 =	slt.u32 s8, $0xFFFFF086  }
0x1c: {  	p1 =	slt.u32 s9, $0xF7A;
	s5 =	simm.s32 @!p2 $0x0  }
0x1d: {  	s5 =	simm.s32 @p1 $0x1;
	p0 =	seq.s32 s7, s2  }
0x1e: {  	s7 =	smul.u32 @!p0 $0xF7A, s2;
	p2 =	seq.s32 @!p0 s5, $0x0  }
0x1f: {  	s9 =	smul.u32 $0xF7A, s1;
	s8 =	simm.s32 @!p0 $0x1BF5;
	p2 =	por !p2, p0  }
0x20: {  	[sflag:s8] =	ssyncset.s32 @!p0 $0xFFFFF086;
	s6 =	sadd.s32 @!p0 s3, s7;
	s7 =	simm.s32 @!p0 $0x108  }
0x21: {  	s3 =	sadd.s32 s3, s9;
	s6 =	sadd.s32 @!p0 $0x88, s6;
	s7 =	simm.s32 @p2 $0x1082  }
0x22: {  	[simem:s7], [sflag:s8] =	dma.local @!p0 [hbm:s6], $0xF7A  }
0x23: {  	s9 =	sor.u32 $0xD0000000, s2;
	s6 =	simm.s32 $0x108;
	_ =	swait.ge @!p0 [sflag:s8], $0x0  }
0x24: {  	s3 =	sadd.s32 $0x88, s3;
	s6 =	simm.s32 @!p1 $0x1082;
	[sflag:s4] =	ssyncset.s32 $0xFFFFF086  }
0x25: {  	[simem:s6], [sflag:s4] =	dma.local [hbm:s3], $0xF7A  }
0x26: {  	[smem:$0x3F9F] =	sst s1;
	(tag) =	ssettag s2;
	_ =	strace s9  }
0x27: {  	s1 =	sld [smem:$0x3FAF]  }
0x28: {  	s2 =	sld [smem:$0x3FB0]  }
0x29: {  	s4 =	sld [smem:$0x3FB2]  }
0x2a: {  	p0 =	seq.s32 s5, $0x0;
	s5 =	sld [smem:$0x3FB3]  }
0x2b: {  	s6 =	sld [smem:$0x3FB4]  }
0x2c: {  	s7 =	sld [smem:$0x3FB5]  }
0x2d: {  	s3 =	simm.s32 $0x108;
	s8 =	sld [smem:$0x3FB6]  }
0x2e: {  	s3 =	simm.s32 @!p0 $0x1082;
	s9 =	sld [smem:$0x3FB7]  }
0x2f: {  	lr =	sadd.s32 s0, s3;
	s0 =	sld [smem:$0x3FAE]  }
0x30: {  	s3 =	sld [smem:$0x3FB1]  }
0x31: {  	[smem:$0x3FBA] =	sst s10  }
0x32: {  	s10 =	sld [smem:$0x3FB8];
	_ =	sdelay $0x3  }
0x33: {  	p0 =	seq.s32 s10, $0x1;
	s10 =	sld [smem:$0x3FBA];
	_ =	sdelay $0x3  }
0x34: {  	[smem:$0x3FBA] =	sst s10  }
0x35: {  	s10 =	sld [smem:$0x3FB9];
	_ =	sdelay $0x3  }
0x36: {  	p1 =	seq.s32 s10, $0x1;
	s10 =	sld [smem:$0x3FBA];
	_ =	sdelay $0x3  }
0x37: {  	[smem:$0x3FBA] =	sst s10  }
0x38: {  	s10 =	sld [smem:$0x3FBB]  }
0x39: {  	_ = 	snop;
	(pc) =	sbr.ind lr, $3  }
0x3a: {  	_ = 	snop  }
0x3b: {  	_ = 	snop  }
0x3c: {  	p2 =	seq.s32 s10, $0x1;
	s10 =	sld [smem:$0x3FBA]  }
0x3d: {  	_ =	shalt  }
0x3e: {  	_ =	shalt  }
0x3f: {  	_ =	shalt  }
0x40: {  	_ =	shalt  }
0x41: {  	_ =	shalt  }
0x42: {  	_ =	shalt  }
0x43: {  	_ =	shalt  }
0x44: {  	_ =	shalt  }
0x45: {  	_ =	shalt  }
0x46: {  	_ =	shalt  }
0x47: {  	_ =	shalt  }
0x48: {  	_ =	shalt  }
0x49: {  	_ =	shalt  }
0x4a: {  	_ =	shalt  }
0x4b: {  	_ =	shalt  }
0x4c: {  	_ =	shalt  }
0x4d: {  	_ =	shalt  }
0x4e: {  	_ =	shalt  }
0x4f: {  	_ =	shalt  }
0x50: {  	_ =	shalt  }
0x51: {  	_ =	shalt  }
0x52: {  	_ =	shalt  }
0x53: {  	_ =	shalt  }
0x54: {  	_ =	shalt  }
0x55: {  	_ =	shalt  }
0x56: {  	_ =	shalt  }
0x57: {  	_ =	shalt  }
0x58: {  	_ =	shalt  }
0x59: {  	_ =	shalt  }
0x5a: {  	_ =	shalt  }
0x5b: {  	_ =	shalt  }
0x5c: {  	_ =	shalt  }
0x5d: {  	_ =	shalt  }
0x5e: {  	_ =	shalt  }
0x5f: {  	_ =	shalt  }
0x60: {  	_ =	shalt  }
0x61: {  	_ =	shalt  }
0x62: {  	_ =	shalt  }
0x63: {  	_ =	shalt  }
0x64: {  	_ =	shalt  }
0x65: {  	_ =	shalt  }
0x66: {  	_ =	shalt  }
0x67: {  	_ =	shalt  }
0x68: {  	_ =	shalt  }
0x69: {  	_ =	shalt  }
0x6a: {  	_ =	shalt  }
0x6b: {  	_ =	shalt  }
0x6c: {  	_ =	shalt  }
0x6d: {  	_ =	shalt  }
0x6e: {  	_ =	shalt  }
0x6f: {  	_ =	shalt  }
0x70: {  	_ =	shalt  }
0x71: {  	_ =	shalt  }
0x72: {  	_ =	shalt  }
0x73: {  	_ =	shalt  }
0x74: {  	_ =	shalt  }
0x75: {  	_ =	shalt  }
0x76: {  	_ =	shalt  }
0x77: {  	_ =	shalt  }
0x78: {  	_ =	shalt  }
0x79: {  	_ =	shalt  }
0x7a: {  	_ =	shalt  }
0x7b: {  	_ =	shalt  }
0x7c: {  	_ =	shalt  }
0x7d: {  	_ =	shalt  }
0x7e: {  	_ =	shalt  }
0x7f: {  	_ =	shalt  }
0x80: {  	_ =	shalt  }
0x81: {  	_ =	shalt  }
0x82: {  	_ =	shalt  }
0x83: {  	_ =	shalt  }
0x84: {  	_ =	shalt  }
0x85: {  	_ =	shalt  }
0x86: {  	_ =	shalt  }
0x87: {  	_ =	shalt  }
.Lfunc_end0:
.L_simem_size_0:
called_computation_lowered:
.L_overlay_start_0:
0x88: {  	s2 =	sld [smem:$0x3FD9]  }
0x89: {  	s3 =	sld [smem:$0x3FFE];
	_ =	sdelay $0x1  }
0x8a: {  	s1 =	srdreg.scid  }
0x8b: {  	s0 =	sand.u32 $0x1, s1  }
0x8c: {  	s14 =	sshll.u32 s0, $0xA;
	s2 =	sadd.s32 s3, s2  }
0x8d: {  	s2 =	sadd.s32 s2, s14  }
0x8e: {  	[smem:$0x3FC6] =	sst s2  }
0x8f: {  	_ = 	snop  }
0x90: {  	s2 =	sld [smem:$0x3FD0];
	_ =	sdelay $0x2  }
0x91: {  	s15 =	simm.s32 $0xA;
	s4 =	simm.s32 $0x10  }
0x92: {  	[smem:s4], [sflag:s15] =	dma.local [hbm:s2], $0x1  }
0x93: {  	_ =	swait.eq [sflag:s15], $0x1  }
0x94: {  	[sflag:s15] =	ssyncset.done $0x0  }
0x95: {  	s16 =	sld [smem:$0x10];
	[sflag:s15] =	ssyncadd.s32 $0xFFFFFFFF  }
0x96: {  	s17 =	sld [smem:$0x12];
	(tm) =	ssettm $0x1  }
0x97: {  	s18 =	sld [smem:$0x3FFB];
	_ =	sdelay $0x3  }
0x98: {  	_ =	strace s18  }
0x99: {  	s4 =	sld [smem:$0x3FFC];
	_ =	sdelay $0x3  }
0x9a: {  	_ =	strace s4  }
0x9b: {  	s4 =	sld [smem:$0x3FFD];
	_ =	sdelay $0x3  }
0x9c: {  	_ =	strace s4  }
0x9d: {  	_ =	strace $0x8FFFFFFF  }
0x9e: {  	s19 =	sld [smem:$0x3FDB];
	_ =	sdelay $0x1  }
0x9f: {  	s5 =	simm.s32 $_scs_section_size  }
0xa0: {  	s6 =	simm.s32 $_size__tile_overlayer_lowered;
	s7 =	simm.s32 $_tile_overlayer_lowered  }
0xa1: {  	s22 =	simm.s32 $0x1BFF;
	s21 =	sshll.u32 s7, $0x1;
	s4 =	sadd.s32 s5, s19  }
0xa2: {  	s8 =	simm.s32 $0x0;
	s20 =	sshll.u32 s6, $0x1;
	s6 =	sadd.s32 s21, s4  }
0xa3: {  	[timem:s8], [sflag:s22] =	dma.local [hbm:s6], s20  }
0xa4: {  	_ =	swait.ge [sflag:s22], s20  }
0xa5: {  	s5 =	ssub.s32 $0x0, s20;
	[sflag:s22] =	ssyncset.done $0x0  }
0xa6: {  	[sflag:s22] =	ssyncadd.s32 s5;
	_ =	sdelay $0x1  }
0xa7: {  	s23 =	simm.s32 $0x1B8B  }
0xa8: {  	_ =	swait.ge [sflag:s23], $0x1  }
0xa9: {  	[sflag:s23] =	ssyncset.done $0x0  }
0xaa: {  	s25 =	simm.s32 $0x1B8E;
	s24 =	sld [smem:$0x3FFE];
	[sflag:s23] =	ssyncadd.s32 $0xFFFFFFFF  }
0xab: {  	s26 =	simm.s32 $execute0_lowered;
	[smem:$0x3FD2] =	sst s25  }
0xac: {  	s6 =	sshll.u32 s26, $0x1;
	_ =	strace $0x80000046;
	[dreg:$0x1] =	wrdreg $0xFFFFFFFF  }
0xad: {  	s28 =	simm.s32 $_size_execute0_lowered;
	s4 =	sadd.s32 s4, s6;
	[dreg:$0x0] =	wrdreg $0x0  }
0xae: {  	s6 =	sshll.u32 s28, $0x1;
	[dreg:$0x2] =	wrdreg s4  }
0xaf: {  	[dreg:$0x3] =	wrdreg s6  }
0xb0: {  	[dreg:$0x4] =	wrdreg $0xC0  }
0xb1: {  	_ =	task [dreg:s8], $0x5FFFF  }
0xb2: {  	[dreg:$0x1] =	wrdreg $0xFFFFFFFF  }
0xb3: {  	[dreg:$0x0] =	wrdreg $0x60  }
0xb4: {  	[dreg:$0x2] =	wrdreg s24  }
0xb5: {  	[dreg:$0x3] =	wrdreg s17  }
0xb6: {  	[dreg:$0x4] =	wrdreg s16  }
0xb7: {  	[dreg:$0x5] =	wrdreg $0x9  }
0xb8: {  	_ =	task.clear_ibuf [dreg:s8], $0x6FFFF;
	_ =	strace $0x90000046  }
0xb9: {  	s29 =	simm.s32 $0x9;
	_ =	strace $0x80000048  }
0xba: {  	_ =	swait.ge [sflag:s29], $0x1  }
0xbb: {  	[sflag:s29] =	ssyncadd.s32 $0xFFFFFFFF  }
0xbc: {  	_ =	strace $0x90000048  }
0xbd: {  	_ =	sfence  }
0xbe: {  	s30 =	sld [smem:$0x0];
	_ =	sdelay $0x2  }
0xbf: {  	s31 =	sshll.u32 s1, $0xD;
	s1 =	sshrl.u32 s1, $0x2  }
0xc0: {  	s3 =	sand.u32 $0x4000, s31;
	s1 =	sadd.s32 s1, s30  }
0xc1: {  	s0 =	sor.u32 s3, s0;
	s1 =	sshll.u32 s1, $0x11  }
0xc2: {  	s0 =	sor.u32 s1, s0  }
0xc3: {  	s0 =	sadd.s32 $0x8F2B, s0  }
0xc4: {  	[sflag:s0] =	ssyncadd.remote.s32 $0x1  }
0xc5: {  	_ =	sfence.sel $0xFFFF  }
0xc6: {  	[dreg:$0x0] =	wrdreg $0xFFFFFFFF;
	(pc) =	sbr.abs _section_cstart, $3  }
0xc7: {  	[dreg:$0x1] =	wrdreg $0xFFFFFFFF  }
0xc8: {  	_ =	task.clear_ibuf [dreg:s8], $0x2FFFF;
	_ =	strace $0x9FFFFFFF  }
0xc9: {  	(tm) =	ssettm $0x7FFFFFFF  }
tec
execute0_lowered:
.L_overlay_start_1:
0x0: {  	(tag) =	ssettag $0x1  }
0x1: {  	s3 =	rddreg [dreg:$0x0]  }
0x2: {  	s4 =	rddreg [dreg:$0x1]  }
0x3: {  	s5 =	rddreg [dreg:$0x2]  }
0x4: {  	s0 =	rddreg [dreg:$0x3]  }
0x5: {  	s2 =	simm.s32 $0x0;
	s6 =	srdreg.scid;
	s1 =	stileid.u32  }
0x6: {  	s11 =	simm.s32 $0x2000;
	s12 =	simm.s32 $0x2800;
	s13 =	simm.s32 $0x3000  }
0x7: {  	s14 =	simm.s32 $0x3800;
	s15 =	simm.s32 $0x4000;
	s16 =	simm.s32 $0x4800  }
0x8: {  	s17 =	simm.s32 $0x5000;
	s18 =	simm.s32 $0x5800;
	s19 =	simm.s32 $0x6000  }
0x9: {  	s20 =	simm.s32 $0x6800;
	s21 =	simm.s32 $0x7000;
	s22 =	simm.s32 $0x7800  }
0xa: {  	s23 =	simm.s32 $0x8000;
	s24 =	simm.s32 $0x1;
	s25 =	simm.s32 $0x0  }
0xb: {  	[smem:$0x7FF] =	sst s2;
	s6 =	sand.u32 $0x1, s6;
	s8 =	sshll.u32 s1, $0xC  }
0xc: {  	s3 =	sadd.s32 $0x600, s3;
	s30 =	sshll.u32 s1, $0x11;
	_ =	strace $0x80000047  }
0xd: {  	s7 =	ssub.s32 $0x2, s6;
	s9 =	sshll.u32 s6, $0xB;
	s31 =	sadd.s32 s30, s5  }
0xe: {  	s6 =	sshll.u32 s6, $0x10;
	s10 =	sshrl.u32 s7, $0x1;
	s8 =	sor.u32 s9, s8  }
0xf: {  	v2 =	vlaneseq.u32;
	s6 =	sadd.s32 s6, s31;
	s9 =	simm.s32 $0x1000;
	s8 =	sshrl.u32 s8, $0x3  }
0x10: {  	vm0 =	vmmov $0xffff;
	v1 =	vshrl.u32 v2, $0x3;
	s7 =	ssub.s32 s7, s10;
	s10 =	simm.s32 $0x1800;
	s4 =	sadd.s32 s4, s8  }
0x11: {  	v0 =	vand.u32 $0x7, v2;
	v2 =	vor.u32 $0x8, v2;
	v1 =	vmul.u32 $0x8, v1;
	s5 =	smax.u32 s7, $0x1;
	s7 =	simm.s32 $0x2;
	s8 =	simm.s32 $0x800  }
.LBB2_1:
0x12: {  	[tilespmem:s2], [sflag:$0x2] =	stream.linear.gather [hbm4b:s4+s2], $0x800, $0x38;
	[tilespmem:$0x8800] =	vst v63  }
0x13: {  	_ =	swait.ge [sflag:s7], $0x800  }
0x14: {  	[sflag:s7] =	ssyncset.done $0x0  }
0x15: {  	s26 =	simm.s32 $0x40;
	s28 =	simm.s32 $0x0;
	[sflag:s7] =	ssyncadd.s32 $0xFFFFF800  }
.LBB2_2:
0x16: {  	v3 =	vld [tilespmem:s26+$0xFFFFFFC0];
	_ =	sdelay $0x4  }
0x17: {  	v4 =	vshll.u32 v3, $0x1  }
0x18: {  	v3 =	vand.u32 $0x7, v3;
	v4 =	vand.u32 $0xFFFFFFF0, v4  }
0x19: {  	v3 =	vor.u32 v3, v4  }
0x1a: {  	v4 =	vperm.xlane v3, v0;
	_ =	sdelay $0x1  }
0x1b: {  	v3 =	vperm.xlane v3, v2;
	v4 =	vadd.s32 v1, v4;
	_ =	sdelay $0x1  }
0x1c: {  	v3 =	vadd.s32 v1, v3;
	_ =	sdelay $0x2  }
0x1d: {  	[tilespmem:s8], [sflag:$0x1] =	stream.indirect_vreg.gather [hbm4b:s3+s2], $0x80, v4, vm0, $0xb8;
	[tilespmem:$0x8800] =	vst v63  }
0x1e: {  	_ = 	snop  }
0x1f: {  	[tilespmem:s9], [sflag:$0x1] =	stream.indirect_vreg.gather [hbm4b:s3+s2], $0x80, v3, vm0, $0xb8;
	[tilespmem:$0x8800] =	vst v63  }
0x20: {  	v3 =	vld [tilespmem:s26+$0xFFFFFFD0];
	_ =	sdelay $0x4  }
0x21: {  	v57 =	vshll.u32 v3, $0x1  }
0x22: {  	v3 =	vand.u32 $0x7, v3;
	v4 =	vand.u32 $0xFFFFFFF0, v57  }
0x23: {  	v3 =	vor.u32 v3, v4  }
0x24: {  	v4 =	vperm.xlane v3, v0;
	_ =	sdelay $0x1  }
0x25: {  	v3 =	vperm.xlane v3, v2;
	v4 =	vadd.s32 v1, v4;
	_ =	sdelay $0x1  }
0x26: {  	v3 =	vadd.s32 v1, v3;
	_ =	sdelay $0x2  }
0x27: {  	[tilespmem:s10], [sflag:$0x1] =	stream.indirect_vreg.gather [hbm4b:s3+s2], $0x80, v4, vm0, $0xb8;
	[tilespmem:$0x8800] =	vst v63  }
0x28: {  	_ = 	snop  }
0x29: {  	[tilespmem:s11], [sflag:$0x1] =	stream.indirect_vreg.gather [hbm4b:s3+s2], $0x80, v3, vm0, $0xb8;
	[tilespmem:$0x8800] =	vst v63  }
0x2a: {  	v3 =	vld [tilespmem:s26+$0xFFFFFFE0];
	_ =	sdelay $0x4  }
0x2b: {  	v58 =	vshll.u32 v3, $0x1  }
0x2c: {  	v3 =	vand.u32 $0x7, v3;
	v4 =	vand.u32 $0xFFFFFFF0, v58  }
0x2d: {  	v3 =	vor.u32 v3, v4  }
0x2e: {  	v4 =	vperm.xlane v3, v0;
	_ =	sdelay $0x1  }
0x2f: {  	v3 =	vperm.xlane v3, v2;
	v4 =	vadd.s32 v1, v4;
	_ =	sdelay $0x1  }
0x30: {  	v3 =	vadd.s32 v1, v3;
	_ =	sdelay $0x2  }
0x31: {  	[tilespmem:s12], [sflag:$0x1] =	stream.indirect_vreg.gather [hbm4b:s3+s2], $0x80, v4, vm0, $0xb8;
	[tilespmem:$0x8800] =	vst v63  }
0x32: {  	_ = 	snop  }
0x33: {  	[tilespmem:s13], [sflag:$0x1] =	stream.indirect_vreg.gather [hbm4b:s3+s2], $0x80, v3, vm0, $0xb8;
	[tilespmem:$0x8800] =	vst v63  }
0x34: {  	v3 =	vld [tilespmem:s26+$0xFFFFFFF0];
	_ =	sdelay $0x4  }
0x35: {  	v59 =	vshll.u32 v3, $0x1  }
0x36: {  	v3 =	vand.u32 $0x7, v3;
	v4 =	vand.u32 $0xFFFFFFF0, v59  }
0x37: {  	v3 =	vor.u32 v3, v4  }
0x38: {  	v4 =	vperm.xlane v3, v0;
	_ =	sdelay $0x1  }
0x39: {  	v3 =	vperm.xlane v3, v2;
	v4 =	vadd.s32 v1, v4;
	_ =	sdelay $0x1  }
0x3a: {  	v3 =	vadd.s32 v1, v3;
	_ =	sdelay $0x2  }
0x3b: {  	[tilespmem:s14], [sflag:$0x1] =	stream.indirect_vreg.gather [hbm4b:s3+s2], $0x80, v4, vm0, $0xb8;
	[tilespmem:$0x8800] =	vst v63  }
0x3c: {  	_ = 	snop  }
0x3d: {  	[tilespmem:s15], [sflag:$0x1] =	stream.indirect_vreg.gather [hbm4b:s3+s2], $0x80, v3, vm0, $0xb8;
	[tilespmem:$0x8800] =	vst v63  }
0x3e: {  	v3 =	vld [tilespmem:s26+$0x0];
	_ =	sdelay $0x4  }
0x3f: {  	v60 =	vshll.u32 v3, $0x1  }
0x40: {  	v3 =	vand.u32 $0x7, v3;
	v4 =	vand.u32 $0xFFFFFFF0, v60  }
0x41: {  	v3 =	vor.u32 v3, v4  }
0x42: {  	v4 =	vperm.xlane v3, v0;
	_ =	sdelay $0x1  }
0x43: {  	v3 =	vperm.xlane v3, v2;
	v4 =	vadd.s32 v1, v4;
	_ =	sdelay $0x1  }
0x44: {  	v3 =	vadd.s32 v1, v3;
	_ =	sdelay $0x2  }
0x45: {  	[tilespmem:s16], [sflag:$0x1] =	stream.indirect_vreg.gather [hbm4b:s3+s2], $0x80, v4, vm0, $0xb8;
	[tilespmem:$0x8800] =	vst v63  }
0x46: {  	_ = 	snop  }
0x47: {  	[tilespmem:s17], [sflag:$0x1] =	stream.indirect_vreg.gather [hbm4b:s3+s2], $0x80, v3, vm0, $0xb8;
	[tilespmem:$0x8800] =	vst v63  }
0x48: {  	v3 =	vld [tilespmem:s26+$0x10];
	_ =	sdelay $0x4  }
0x49: {  	v61 =	vshll.u32 v3, $0x1  }
0x4a: {  	v3 =	vand.u32 $0x7, v3;
	v4 =	vand.u32 $0xFFFFFFF0, v61  }
0x4b: {  	v3 =	vor.u32 v3, v4  }
0x4c: {  	v4 =	vperm.xlane v3, v0;
	_ =	sdelay $0x1  }
0x4d: {  	v3 =	vperm.xlane v3, v2;
	v4 =	vadd.s32 v1, v4;
	_ =	sdelay $0x1  }
0x4e: {  	v3 =	vadd.s32 v1, v3;
	_ =	sdelay $0x2  }
0x4f: {  	[tilespmem:s18], [sflag:$0x1] =	stream.indirect_vreg.gather [hbm4b:s3+s2], $0x80, v4, vm0, $0xb8;
	[tilespmem:$0x8800] =	vst v63  }
0x50: {  	_ = 	snop  }
0x51: {  	[tilespmem:s19], [sflag:$0x1] =	stream.indirect_vreg.gather [hbm4b:s3+s2], $0x80, v3, vm0, $0xb8;
	[tilespmem:$0x8800] =	vst v63  }
0x52: {  	v3 =	vld [tilespmem:s26+$0x20];
	_ =	sdelay $0x4  }
0x53: {  	v62 =	vshll.u32 v3, $0x1  }
0x54: {  	v3 =	vand.u32 $0x7, v3;
	v4 =	vand.u32 $0xFFFFFFF0, v62  }
0x55: {  	v3 =	vor.u32 v3, v4  }
0x56: {  	v4 =	vperm.xlane v3, v0;
	_ =	sdelay $0x1  }
0x57: {  	v3 =	vperm.xlane v3, v2;
	v4 =	vadd.s32 v1, v4;
	_ =	sdelay $0x1  }
0x58: {  	v3 =	vadd.s32 v1, v3;
	_ =	sdelay $0x2  }
0x59: {  	[tilespmem:s20], [sflag:$0x1] =	stream.indirect_vreg.gather [hbm4b:s3+s2], $0x80, v4, vm0, $0xb8;
	[tilespmem:$0x8800] =	vst v63  }
0x5a: {  	_ = 	snop  }
0x5b: {  	[tilespmem:s21], [sflag:$0x1] =	stream.indirect_vreg.gather [hbm4b:s3+s2], $0x80, v3, vm0, $0xb8;
	[tilespmem:$0x8800] =	vst v63  }
0x5c: {  	v3 =	vld [tilespmem:s26+$0x30];
	_ =	sdelay $0x4  }
0x5d: {  	v63 =	vshll.u32 v3, $0x1  }
0x5e: {  	v3 =	vand.u32 $0x7, v3;
	v4 =	vand.u32 $0xFFFFFFF0, v63  }
0x5f: {  	v3 =	vor.u32 v3, v4  }
0x60: {  	v4 =	vperm.xlane v3, v0;
	_ =	sdelay $0x1  }
0x61: {  	v3 =	vperm.xlane v3, v2;
	v4 =	vadd.s32 v1, v4;
	_ =	sdelay $0x1  }
0x62: {  	v3 =	vadd.s32 v1, v3;
	_ =	sdelay $0x2  }
0x63: {  	[tilespmem:s22], [sflag:$0x1] =	stream.indirect_vreg.gather [hbm4b:s3+s2], $0x80, v4, vm0, $0xb8;
	[tilespmem:$0x8800] =	vst v63  }
0x64: {  	_ = 	snop  }
0x65: {  	[tilespmem:s23], [sflag:$0x1] =	stream.indirect_vreg.gather [hbm4b:s3+s2], $0x80, v3, vm0, $0xb8;
	[tilespmem:$0x8800] =	vst v63  }
0x66: {  	_ =	swait.ge [sflag:s24], $0x8000  }
0x67: {  	p0 =	sne.s32 s28, $0xF000;
	[sflag:s24] =	ssyncset.done $0x0  }
.Ltmp0:
0x68: {  	s29 =	sadd.s32 s28, s6;
	[sflag:s24] =	ssyncadd.s32 $0xFFFF8000;
	(pc) =	sbr.rel @p0 .LBB2_2-.Ltmp0, $4  }
0x69: {  	[hbm4b:s29+s2] =	stream.linear.scatter [tilespmem:s8], [sflag:$0x2], $0x8000, $0x38;
	[tilespmem:$0x8800] =	vst v63  }
0x6a: {  	_ =	swait.ge [sflag:s7], $0x8000  }
0x6b: {  	[sflag:s7] =	ssyncset.done $0x0  }
0x6c: {  	s28 =	sadd.s32 $0x1000, s28;
	s26 =	sadd.s32 $0x80, s26;
	[sflag:s7] =	ssyncadd.s32 $0xFFFF8000  }
0x6d: {  	s25 =	sadd.s32 $0x1, s25  }
0x6e: {  	p0 =	sne.s32 s25, s5  }
.Ltmp1:
0x6f: {  	_ = 	snop;
	(pc) =	sbr.rel @p0 .LBB2_1-.Ltmp1, $1  }
0x70: {  	_ =	sdelay $0x3  }
0x71: {  	_ =	sfence.sel $0x180000  }
0x72: {  	[bflag:$0x0] =	sbarrier.arrive $0xFFFF  }
0x73: {  	p0 =	sne.s32 s1, $0x0;
	_ =	strace $0x90000047  }
0x74: {  	s0 =	sadd.s32 @!p0 $0x100000, s0;
	[bflag:$0x2] =	sbarrier.arrive $0xFFFF  }
0x75: {  	[sflag:s0] =	ssyncadd.tile.s32 @!p0 $0x1;
	_ =	shalt  }
.Lfunc_end2:
_tile_overlayer_lowered:
.L_overlay_start_2:
0x76: {  	(tag) =	ssettag $0x2  }
0x77: {  	s0 =	rddreg [dreg:$0x0];
	s2 =	stileid.u32  }
0x78: {  	s1 =	rddreg [dreg:$0x1];
	p0 =	sne.s32 s2, $0x0  }
0x79: {  	s3 =	rddreg [dreg:$0x2];
	[bflag:$0x3] =	sbarrier.arrive $0xFFFF;
	s2 =	simm.s32 @!p0 $0x1C02  }
0x7a: {  	[timem:s3], [sflag:s2] =	dma.local @!p0 [hbm:s0], s1  }
0x7b: {  	s0 =	simm.s32 @!p0 $0x2  }
0x7c: {  	_ =	swait.ge @!p0 [sflag:s0], s1  }
0x7d: {  	s1 =	ssub.s32 @!p0 $0x0, s1;
	[sflag:s0] =	ssyncset.done @!p0 $0x0  }
0x7e: {  	[sflag:s0] =	ssyncadd.s32 @!p0 s1  }
0x7f: {  	[bflag:$0x3] =	sbarrier.arrive $0xFFFF  }
0x80: {  	_ =	shalt  }

</sc_bundles>
